<compile_context>
chip_gen: v7x
topology: tpu7x:2x2x1
jax: 0.10.2.dev20260603
libtpu: 0.0.44.dev20260713+nightly
codegen_flags: <defaults>
</compile_context>

<pallas_src>
import jax
import jax.numpy as jnp
from jax import lax
from jax.experimental import pallas as pl
from jax.experimental.pallas import tpu as pltpu
from jax.experimental.pallas import tpu_sc as plsc

_CH = 128
_NB = 5


def kernel(x, emb_weight):
    B, L = x.shape
    N = B * L
    D = emb_weight.shape[1]
    idx = x.reshape(N).astype(jnp.int32)

    NW = 32
    per_w = N // NW
    steps = per_w // _CH
    mesh = plsc.VectorSubcoreMesh(core_axis_name="core", subcore_axis_name="subcore")

    @pl.kernel(
        out_type=jax.ShapeDtypeStruct((N, D), emb_weight.dtype),
        mesh=mesh,
        scratch_types=(
            [pltpu.VMEM((per_w,), jnp.int32)]
            + [pltpu.VMEM((_CH, D), jnp.float32) for _ in range(_NB)]
            + [pltpu.SemaphoreType.DMA for _ in range(2 * _NB)]
        ),
    )
    def run(table_hbm, idx_hbm, out_hbm, idx_v, *scratch):
        bufs = scratch[:_NB]
        gsem = scratch[_NB:2 * _NB]
        wsem = scratch[2 * _NB:]
        wid = lax.axis_index("subcore") * 2 + lax.axis_index("core")
        base = wid * per_w

        pltpu.sync_copy(idx_hbm.at[pl.ds(base, per_w)], idx_v)

        def gather(g, b):
            return pltpu.make_async_copy(
                table_hbm.at[idx_v.at[pl.ds(g * _CH, _CH)]], bufs[b], gsem[b])

        def write(g, b):
            return pltpu.make_async_copy(
                bufs[b], out_hbm.at[pl.ds(base + g * _CH, _CH)], wsem[b])

        gather(0, 0).start()
        gather(1, 1).start()

        @pl.loop(0, steps, step=_NB)
        def _(g0):
            for b in range(_NB):
                g = g0 + b
                bn = (b + 2) % _NB

                @pl.when(jnp.logical_and(g + 2 >= _NB, g + 2 < steps))
                def _():
                    write(g + 2 - _NB, bn).wait()

                @pl.when(g + 2 < steps)
                def _():
                    gather(g + 2, bn).start()

                gather(g, b).wait()
                write(g, b).start()

        for k in range(_NB):
            w = steps - _NB + k
            write(w, w % _NB).wait()

    return run(emb_weight, idx).reshape(B, L, D)

# --- scband reference (transcript-rebuilt; emitter-appended) ---
"""Pipeline reference for scband-label-encoder-987842478217 (READ-ONLY COPY).

The authoritative reference and input builder live on the scoring server;
editing this copy changes nothing except your own understanding.
"""

import jax, jax.numpy as jnp
import numpy as np

NUM_CLASSES = 100000
D_LATENT = 128
B = 4096
L = 200

def setup_inputs(seed: int = 0) -> dict:
    key = jax.random.key(seed)
    k1, k2 = jax.random.split(key)
    x = jax.random.randint(k1, (B, L), 0, NUM_CLASSES, dtype=jnp.int64 if jax.config.jax_enable_x64 else jnp.int32)
    emb_weight = jax.random.normal(k2, (NUM_CLASSES, D_LATENT), dtype=jnp.float32)
    return {"x": x, "emb_weight": emb_weight}

def reference(x, emb_weight):
    # nn.Embedding lookup: table[idx]
    return jnp.take(emb_weight, x, axis=0)

if __name__ == "__main__":
    import jax
    _d = setup_inputs()
    print(jax.jit(kernel)(*tuple(_d.values())))

</pallas_src>

<mosaic_0001>
#map = affine_map<(d0, d1) -> (0, 0)>
#map1 = affine_map<(d0, d1) -> (0)>
module attributes {stable_mosaic.version = 14 : i64} {
  func.func @run(%arg0: i32, %arg1: i32, %arg2: memref<100000x128xf32, #tpu.memory_space<hbm>>, %arg3: memref<819200xi32, #tpu.memory_space<hbm>>, %arg4: memref<819200x128xf32, #tpu.memory_space<hbm>>, %arg5: memref<25600xi32, #tpu.memory_space<vmem>>, %arg6: memref<128x128xf32, #tpu.memory_space<vmem>>, %arg7: memref<128x128xf32, #tpu.memory_space<vmem>>, %arg8: memref<128x128xf32, #tpu.memory_space<vmem>>, %arg9: memref<128x128xf32, #tpu.memory_space<vmem>>, %arg10: memref<128x128xf32, #tpu.memory_space<vmem>>, %arg11: memref<!tpu.dma_semaphore, #tpu.memory_space<semaphore_mem>>, %arg12: memref<!tpu.dma_semaphore, #tpu.memory_space<semaphore_mem>>, %arg13: memref<!tpu.dma_semaphore, #tpu.memory_space<semaphore_mem>>, %arg14: memref<!tpu.dma_semaphore, #tpu.memory_space<semaphore_mem>>, %arg15: memref<!tpu.dma_semaphore, #tpu.memory_space<semaphore_mem>>, %arg16: memref<!tpu.dma_semaphore, #tpu.memory_space<semaphore_mem>>, %arg17: memref<!tpu.dma_semaphore, #tpu.memory_space<semaphore_mem>>, %arg18: memref<!tpu.dma_semaphore, #tpu.memory_space<semaphore_mem>>, %arg19: memref<!tpu.dma_semaphore, #tpu.memory_space<semaphore_mem>>, %arg20: memref<!tpu.dma_semaphore, #tpu.memory_space<semaphore_mem>>) attributes {dimension_semantics = [#tpu.dimension_semantics<core_parallel>, #tpu.dimension_semantics<subcore_parallel>], iteration_bounds = array<i64: 2, 16>, scalar_prefetch = 0 : i64, scratch_operands = 16 : i64, tpu.core_type = #tpu.core_type<sc_vector_subcore>, window_params = [{transform_indices = #map}, {transform_indices = #map1}, {transform_indices = #map}]} {
    %mul3A = arith.constant 2 : i32
    %mul3A_0 = arith.muli %arg1, %mul3A : i32
    %add3A = arith.addi %mul3A_0, %arg0 : i32
    %mul3A_1 = arith.constant 25600 : i32
    %mul3A_2 = arith.muli %add3A, %mul3A_1 : i32
    "tpu.region"() ({
      %run_scoped3A = tpu.sem_alloc : memref<!tpu.dma_semaphore, #tpu.memory_space<semaphore_mem>>
      %dma_start3A_45 = tpu.memref_slice %arg3[%mul3A_2] : memref<819200xi32, #tpu.memory_space<hbm>> -> memref<25600xi32, #tpu.memory_space<hbm>>
      %dma_start3A_46 = tpu.memref_slice %arg3[%mul3A_2] : memref<819200xi32, #tpu.memory_space<hbm>> -> memref<25600xi32, #tpu.memory_space<hbm>>
      tpu.enqueue_dma source(%dma_start3A_46 : memref<25600xi32, #tpu.memory_space<hbm>>) target(%arg5 : memref<25600xi32, #tpu.memory_space<vmem>>) target_semaphore(%run_scoped3A : memref<!tpu.dma_semaphore, #tpu.memory_space<semaphore_mem>>)
      %dma_wait3A_47 = tpu.memref_slice %arg3[%mul3A_2] : memref<819200xi32, #tpu.memory_space<hbm>> -> memref<25600xi32, #tpu.memory_space<hbm>>
      %dma_wait3A_48 = tpu.memref_slice %arg3[%mul3A_2] : memref<819200xi32, #tpu.memory_space<hbm>> -> memref<25600xi32, #tpu.memory_space<hbm>>
      tpu.wait_dma2 semaphore(%run_scoped3A : memref<!tpu.dma_semaphore, #tpu.memory_space<semaphore_mem>>) src(%dma_wait3A_48 : memref<25600xi32, #tpu.memory_space<hbm>>) dst(%arg5 : memref<25600xi32, #tpu.memory_space<vmem>>)
      tpu.yield
    }) : () -> ()
    %dma_start3A = arith.constant 0 : i32
    %dma_start3A_3 = tpu.memref_slice %arg5[%dma_start3A] : memref<25600xi32, #tpu.memory_space<vmem>> -> memref<128xi32, #tpu.memory_space<vmem>>
    %dma_start3A_4 = arith.constant 0 : i32
    %dma_start3A_5 = arith.constant 0 : i32
    %dma_start3A_6 = tpu.memref_slice %arg2[%dma_start3A_4, %dma_start3A_5] : memref<100000x128xf32, #tpu.memory_space<hbm>> -> memref<100000x128xf32, #tpu.memory_space<hbm>>
    tpu.enqueue_indirect_dma source(%dma_start3A_6 : memref<100000x128xf32, #tpu.memory_space<hbm>>) target(%arg6 : memref<128x128xf32, #tpu.memory_space<vmem>>) offsets(%dma_start3A_3 : memref<128xi32, #tpu.memory_space<vmem>>) semaphore(%arg11 : memref<!tpu.dma_semaphore, #tpu.memory_space<semaphore_mem>>)
    %dma_start3A_7 = arith.constant 128 : i32
    %dma_start3A_8 = tpu.memref_slice %arg5[%dma_start3A_7] : memref<25600xi32, #tpu.memory_space<vmem>> -> memref<128xi32, #tpu.memory_space<vmem>>
    %dma_start3A_9 = arith.constant 0 : i32
    %dma_start3A_10 = arith.constant 0 : i32
    %dma_start3A_11 = tpu.memref_slice %arg2[%dma_start3A_9, %dma_start3A_10] : memref<100000x128xf32, #tpu.memory_space<hbm>> -> memref<100000x128xf32, #tpu.memory_space<hbm>>
    tpu.enqueue_indirect_dma source(%dma_start3A_11 : memref<100000x128xf32, #tpu.memory_space<hbm>>) target(%arg7 : memref<128x128xf32, #tpu.memory_space<vmem>>) offsets(%dma_start3A_8 : memref<128xi32, #tpu.memory_space<vmem>>) semaphore(%arg12 : memref<!tpu.dma_semaphore, #tpu.memory_space<semaphore_mem>>)
    %scan3A = arith.constant 0 : i32
    %scan3A_12 = arith.constant 40 : i32
    %scan3A_13 = arith.addi %scan3A, %scan3A_12 : i32
    %scan3A_14 = arith.constant 1 : i32
    scf.for %scan3A_45 = %scan3A to %scan3A_13 step %scan3A_14  : i32 {
      %mul3A_46 = arith.constant 5 : i32
      %mul3A_47 = arith.muli %scan3A_45, %mul3A_46 : i32
      %add3A_48 = arith.constant 0 : i32
      %add3A_49 = arith.addi %add3A_48, %mul3A_47 : i32
      %add3A_50 = arith.constant 0 : i32
      %add3A_51 = arith.addi %add3A_49, %add3A_50 : i32
      %add3A_52 = arith.constant 2 : i32
      %add3A_53 = arith.addi %add3A_51, %add3A_52 : i32
      %ge3A = arith.constant 5 : i32
      %ge3A_54 = arith.cmpi sge, %add3A_53, %ge3A : i32
      %add3A_55 = arith.constant 2 : i32
      %add3A_56 = arith.addi %add3A_51, %add3A_55 : i32
      %lt3A = arith.constant 200 : i32
      %lt3A_57 = arith.cmpi slt, %add3A_56, %lt3A : i32
      %and3A = arith.andi %ge3A_54, %lt3A_57 : i1
      %convert_element_type3A = arith.extui %and3A : i1 to i32
      %cond3A = arith.constant 0 : i32
      %cond3A_58 = arith.cmpi ne, %convert_element_type3A, %cond3A : i32
      scf.if %cond3A_58 {
        %add3A_215 = arith.constant 2 : i32
        %add3A_216 = arith.addi %add3A_51, %add3A_215 : i32
        %sub3A = arith.constant 5 : i32
        %sub3A_217 = arith.subi %add3A_216, %sub3A : i32
        %mul3A_218 = arith.constant 128 : i32
        %mul3A_219 = arith.muli %sub3A_217, %mul3A_218 : i32
        %add3A_220 = arith.addi %mul3A_2, %mul3A_219 : i32
        %dma_wait3A_221 = arith.constant 0 : i32
        %dma_wait3A_222 = tpu.memref_slice %arg4[%add3A_220, %dma_wait3A_221] : memref<819200x128xf32, #tpu.memory_space<hbm>> -> memref<128x128xf32, #tpu.memory_space<hbm>>
        %dma_wait3A_223 = arith.constant 0 : i32
        %dma_wait3A_224 = tpu.memref_slice %arg4[%add3A_220, %dma_wait3A_223] : memref<819200x128xf32, #tpu.memory_space<hbm>> -> memref<128x128xf32, #tpu.memory_space<hbm>>
        tpu.wait_dma2 semaphore(%arg18 : memref<!tpu.dma_semaphore, #tpu.memory_space<semaphore_mem>>) src(%arg8 : memref<128x128xf32, #tpu.memory_space<vmem>>) dst(%dma_wait3A_224 : memref<128x128xf32, #tpu.memory_space<hbm>>)
      } else {
      }
      %add3A_59 = arith.constant 2 : i32
      %add3A_60 = arith.addi %add3A_51, %add3A_59 : i32
      %lt3A_61 = arith.constant 200 : i32
      %lt3A_62 = arith.cmpi slt, %add3A_60, %lt3A_61 : i32
      %convert_element_type3A_63 = arith.extui %lt3A_62 : i1 to i32
      %cond3A_64 = arith.constant 0 : i32
      %cond3A_65 = arith.cmpi ne, %convert_element_type3A_63, %cond3A_64 : i32
      scf.if %cond3A_65 {
        %add3A_215 = arith.constant 2 : i32
        %add3A_216 = arith.addi %add3A_51, %add3A_215 : i32
        %mul3A_217 = arith.constant 128 : i32
        %mul3A_218 = arith.muli %add3A_216, %mul3A_217 : i32
        %dma_start3A_219 = tpu.memref_slice %arg5[%mul3A_218] : memref<25600xi32, #tpu.memory_space<vmem>> -> memref<128xi32, #tpu.memory_space<vmem>>
        %dma_start3A_220 = arith.constant 0 : i32
        %dma_start3A_221 = arith.constant 0 : i32
        %dma_start3A_222 = tpu.memref_slice %arg2[%dma_start3A_220, %dma_start3A_221] : memref<100000x128xf32, #tpu.memory_space<hbm>> -> memref<100000x128xf32, #tpu.memory_space<hbm>>
        tpu.enqueue_indirect_dma source(%dma_start3A_222 : memref<100000x128xf32, #tpu.memory_space<hbm>>) target(%arg8 : memref<128x128xf32, #tpu.memory_space<vmem>>) offsets(%dma_start3A_219 : memref<128xi32, #tpu.memory_space<vmem>>) semaphore(%arg13 : memref<!tpu.dma_semaphore, #tpu.memory_space<semaphore_mem>>)
      } else {
      }
      %mul3A_66 = arith.constant 128 : i32
      %mul3A_67 = arith.muli %add3A_51, %mul3A_66 : i32
      %dma_wait3A_68 = tpu.memref_slice %arg5[%mul3A_67] : memref<25600xi32, #tpu.memory_space<vmem>> -> memref<128xi32, #tpu.memory_space<vmem>>
      %dma_wait3A_69 = arith.constant 0 : i32
      %dma_wait3A_70 = arith.constant 0 : i32
      %dma_wait3A_71 = tpu.memref_slice %arg2[%dma_wait3A_69, %dma_wait3A_70] : memref<100000x128xf32, #tpu.memory_space<hbm>> -> memref<100000x128xf32, #tpu.memory_space<hbm>>
      tpu.wait_indirect_dma semaphore(%arg11 : memref<!tpu.dma_semaphore, #tpu.memory_space<semaphore_mem>>) src(%dma_wait3A_71 : memref<100000x128xf32, #tpu.memory_space<hbm>>) dst(%arg6 : memref<128x128xf32, #tpu.memory_space<vmem>>)
      %mul3A_72 = arith.constant 128 : i32
      %mul3A_73 = arith.muli %add3A_51, %mul3A_72 : i32
      %add3A_74 = arith.addi %mul3A_2, %mul3A_73 : i32
      %dma_start3A_75 = arith.constant 0 : i32
      %dma_start3A_76 = tpu.memref_slice %arg4[%add3A_74, %dma_start3A_75] : memref<819200x128xf32, #tpu.memory_space<hbm>> -> memref<128x128xf32, #tpu.memory_space<hbm>>
      %dma_start3A_77 = arith.constant 0 : i32
      %dma_start3A_78 = tpu.memref_slice %arg4[%add3A_74, %dma_start3A_77] : memref<819200x128xf32, #tpu.memory_space<hbm>> -> memref<128x128xf32, #tpu.memory_space<hbm>>
      tpu.enqueue_dma source(%arg6 : memref<128x128xf32, #tpu.memory_space<vmem>>) target(%dma_start3A_78 : memref<128x128xf32, #tpu.memory_space<hbm>>) target_semaphore(%arg16 : memref<!tpu.dma_semaphore, #tpu.memory_space<semaphore_mem>>)
      %add3A_79 = arith.constant 1 : i32
      %add3A_80 = arith.addi %add3A_49, %add3A_79 : i32
      %add3A_81 = arith.constant 2 : i32
      %add3A_82 = arith.addi %add3A_80, %add3A_81 : i32
      %ge3A_83 = arith.constant 5 : i32
      %ge3A_84 = arith.cmpi sge, %add3A_82, %ge3A_83 : i32
      %add3A_85 = arith.constant 2 : i32
      %add3A_86 = arith.addi %add3A_80, %add3A_85 : i32
      %lt3A_87 = arith.constant 200 : i32
      %lt3A_88 = arith.cmpi slt, %add3A_86, %lt3A_87 : i32
      %and3A_89 = arith.andi %ge3A_84, %lt3A_88 : i1
      %convert_element_type3A_90 = arith.extui %and3A_89 : i1 to i32
      %cond3A_91 = arith.constant 0 : i32
      %cond3A_92 = arith.cmpi ne, %convert_element_type3A_90, %cond3A_91 : i32
      scf.if %cond3A_92 {
        %add3A_215 = arith.constant 2 : i32
        %add3A_216 = arith.addi %add3A_80, %add3A_215 : i32
        %sub3A = arith.constant 5 : i32
        %sub3A_217 = arith.subi %add3A_216, %sub3A : i32
        %mul3A_218 = arith.constant 128 : i32
        %mul3A_219 = arith.muli %sub3A_217, %mul3A_218 : i32
        %add3A_220 = arith.addi %mul3A_2, %mul3A_219 : i32
        %dma_wait3A_221 = arith.constant 0 : i32
        %dma_wait3A_222 = tpu.memref_slice %arg4[%add3A_220, %dma_wait3A_221] : memref<819200x128xf32, #tpu.memory_space<hbm>> -> memref<128x128xf32, #tpu.memory_space<hbm>>
        %dma_wait3A_223 = arith.constant 0 : i32
        %dma_wait3A_224 = tpu.memref_slice %arg4[%add3A_220, %dma_wait3A_223] : memref<819200x128xf32, #tpu.memory_space<hbm>> -> memref<128x128xf32, #tpu.memory_space<hbm>>
        tpu.wait_dma2 semaphore(%arg19 : memref<!tpu.dma_semaphore, #tpu.memory_space<semaphore_mem>>) src(%arg9 : memref<128x128xf32, #tpu.memory_space<vmem>>) dst(%dma_wait3A_224 : memref<128x128xf32, #tpu.memory_space<hbm>>)
      } else {
      }
      %add3A_93 = arith.constant 2 : i32
      %add3A_94 = arith.addi %add3A_80, %add3A_93 : i32
      %lt3A_95 = arith.constant 200 : i32
      %lt3A_96 = arith.cmpi slt, %add3A_94, %lt3A_95 : i32
      %convert_element_type3A_97 = arith.extui %lt3A_96 : i1 to i32
      %cond3A_98 = arith.constant 0 : i32
      %cond3A_99 = arith.cmpi ne, %convert_element_type3A_97, %cond3A_98 : i32
      scf.if %cond3A_99 {
        %add3A_215 = arith.constant 2 : i32
        %add3A_216 = arith.addi %add3A_80, %add3A_215 : i32
        %mul3A_217 = arith.constant 128 : i32
        %mul3A_218 = arith.muli %add3A_216, %mul3A_217 : i32
        %dma_start3A_219 = tpu.memref_slice %arg5[%mul3A_218] : memref<25600xi32, #tpu.memory_space<vmem>> -> memref<128xi32, #tpu.memory_space<vmem>>
        %dma_start3A_220 = arith.constant 0 : i32
        %dma_start3A_221 = arith.constant 0 : i32
        %dma_start3A_222 = tpu.memref_slice %arg2[%dma_start3A_220, %dma_start3A_221] : memref<100000x128xf32, #tpu.memory_space<hbm>> -> memref<100000x128xf32, #tpu.memory_space<hbm>>
        tpu.enqueue_indirect_dma source(%dma_start3A_222 : memref<100000x128xf32, #tpu.memory_space<hbm>>) target(%arg9 : memref<128x128xf32, #tpu.memory_space<vmem>>) offsets(%dma_start3A_219 : memref<128xi32, #tpu.memory_space<vmem>>) semaphore(%arg14 : memref<!tpu.dma_semaphore, #tpu.memory_space<semaphore_mem>>)
      } else {
      }
      %mul3A_100 = arith.constant 128 : i32
      %mul3A_101 = arith.muli %add3A_80, %mul3A_100 : i32
      %dma_wait3A_102 = tpu.memref_slice %arg5[%mul3A_101] : memref<25600xi32, #tpu.memory_space<vmem>> -> memref<128xi32, #tpu.memory_space<vmem>>
      %dma_wait3A_103 = arith.constant 0 : i32
      %dma_wait3A_104 = arith.constant 0 : i32
      %dma_wait3A_105 = tpu.memref_slice %arg2[%dma_wait3A_103, %dma_wait3A_104] : memref<100000x128xf32, #tpu.memory_space<hbm>> -> memref<100000x128xf32, #tpu.memory_space<hbm>>
      tpu.wait_indirect_dma semaphore(%arg12 : memref<!tpu.dma_semaphore, #tpu.memory_space<semaphore_mem>>) src(%dma_wait3A_105 : memref<100000x128xf32, #tpu.memory_space<hbm>>) dst(%arg7 : memref<128x128xf32, #tpu.memory_space<vmem>>)
      %mul3A_106 = arith.constant 128 : i32
      %mul3A_107 = arith.muli %add3A_80, %mul3A_106 : i32
      %add3A_108 = arith.addi %mul3A_2, %mul3A_107 : i32
      %dma_start3A_109 = arith.constant 0 : i32
      %dma_start3A_110 = tpu.memref_slice %arg4[%add3A_108, %dma_start3A_109] : memref<819200x128xf32, #tpu.memory_space<hbm>> -> memref<128x128xf32, #tpu.memory_space<hbm>>
      %dma_start3A_111 = arith.constant 0 : i32
      %dma_start3A_112 = tpu.memref_slice %arg4[%add3A_108, %dma_start3A_111] : memref<819200x128xf32, #tpu.memory_space<hbm>> -> memref<128x128xf32, #tpu.memory_space<hbm>>
      tpu.enqueue_dma source(%arg7 : memref<128x128xf32, #tpu.memory_space<vmem>>) target(%dma_start3A_112 : memref<128x128xf32, #tpu.memory_space<hbm>>) target_semaphore(%arg17 : memref<!tpu.dma_semaphore, #tpu.memory_space<semaphore_mem>>)
      %add3A_113 = arith.constant 2 : i32
      %add3A_114 = arith.addi %add3A_49, %add3A_113 : i32
      %add3A_115 = arith.constant 2 : i32
      %add3A_116 = arith.addi %add3A_114, %add3A_115 : i32
      %ge3A_117 = arith.constant 5 : i32
      %ge3A_118 = arith.cmpi sge, %add3A_116, %ge3A_117 : i32
      %add3A_119 = arith.constant 2 : i32
      %add3A_120 = arith.addi %add3A_114, %add3A_119 : i32
      %lt3A_121 = arith.constant 200 : i32
      %lt3A_122 = arith.cmpi slt, %add3A_120, %lt3A_121 : i32
      %and3A_123 = arith.andi %ge3A_118, %lt3A_122 : i1
      %convert_element_type3A_124 = arith.extui %and3A_123 : i1 to i32
      %cond3A_125 = arith.constant 0 : i32
      %cond3A_126 = arith.cmpi ne, %convert_element_type3A_124, %cond3A_125 : i32
      scf.if %cond3A_126 {
        %add3A_215 = arith.constant 2 : i32
        %add3A_216 = arith.addi %add3A_114, %add3A_215 : i32
        %sub3A = arith.constant 5 : i32
        %sub3A_217 = arith.subi %add3A_216, %sub3A : i32
        %mul3A_218 = arith.constant 128 : i32
        %mul3A_219 = arith.muli %sub3A_217, %mul3A_218 : i32
        %add3A_220 = arith.addi %mul3A_2, %mul3A_219 : i32
        %dma_wait3A_221 = arith.constant 0 : i32
        %dma_wait3A_222 = tpu.memref_slice %arg4[%add3A_220, %dma_wait3A_221] : memref<819200x128xf32, #tpu.memory_space<hbm>> -> memref<128x128xf32, #tpu.memory_space<hbm>>
        %dma_wait3A_223 = arith.constant 0 : i32
        %dma_wait3A_224 = tpu.memref_slice %arg4[%add3A_220, %dma_wait3A_223] : memref<819200x128xf32, #tpu.memory_space<hbm>> -> memref<128x128xf32, #tpu.memory_space<hbm>>
        tpu.wait_dma2 semaphore(%arg20 : memref<!tpu.dma_semaphore, #tpu.memory_space<semaphore_mem>>) src(%arg10 : memref<128x128xf32, #tpu.memory_space<vmem>>) dst(%dma_wait3A_224 : memref<128x128xf32, #tpu.memory_space<hbm>>)
      } else {
      }
      %add3A_127 = arith.constant 2 : i32
      %add3A_128 = arith.addi %add3A_114, %add3A_127 : i32
      %lt3A_129 = arith.constant 200 : i32
      %lt3A_130 = arith.cmpi slt, %add3A_128, %lt3A_129 : i32
      %convert_element_type3A_131 = arith.extui %lt3A_130 : i1 to i32
      %cond3A_132 = arith.constant 0 : i32
      %cond3A_133 = arith.cmpi ne, %convert_element_type3A_131, %cond3A_132 : i32
      scf.if %cond3A_133 {
        %add3A_215 = arith.constant 2 : i32
        %add3A_216 = arith.addi %add3A_114, %add3A_215 : i32
        %mul3A_217 = arith.constant 128 : i32
        %mul3A_218 = arith.muli %add3A_216, %mul3A_217 : i32
        %dma_start3A_219 = tpu.memref_slice %arg5[%mul3A_218] : memref<25600xi32, #tpu.memory_space<vmem>> -> memref<128xi32, #tpu.memory_space<vmem>>
        %dma_start3A_220 = arith.constant 0 : i32
        %dma_start3A_221 = arith.constant 0 : i32
        %dma_start3A_222 = tpu.memref_slice %arg2[%dma_start3A_220, %dma_start3A_221] : memref<100000x128xf32, #tpu.memory_space<hbm>> -> memref<100000x128xf32, #tpu.memory_space<hbm>>
        tpu.enqueue_indirect_dma source(%dma_start3A_222 : memref<100000x128xf32, #tpu.memory_space<hbm>>) target(%arg10 : memref<128x128xf32, #tpu.memory_space<vmem>>) offsets(%dma_start3A_219 : memref<128xi32, #tpu.memory_space<vmem>>) semaphore(%arg15 : memref<!tpu.dma_semaphore, #tpu.memory_space<semaphore_mem>>)
      } else {
      }
      %mul3A_134 = arith.constant 128 : i32
      %mul3A_135 = arith.muli %add3A_114, %mul3A_134 : i32
      %dma_wait3A_136 = tpu.memref_slice %arg5[%mul3A_135] : memref<25600xi32, #tpu.memory_space<vmem>> -> memref<128xi32, #tpu.memory_space<vmem>>
      %dma_wait3A_137 = arith.constant 0 : i32
      %dma_wait3A_138 = arith.constant 0 : i32
      %dma_wait3A_139 = tpu.memref_slice %arg2[%dma_wait3A_137, %dma_wait3A_138] : memref<100000x128xf32, #tpu.memory_space<hbm>> -> memref<100000x128xf32, #tpu.memory_space<hbm>>
      tpu.wait_indirect_dma semaphore(%arg13 : memref<!tpu.dma_semaphore, #tpu.memory_space<semaphore_mem>>) src(%dma_wait3A_139 : memref<100000x128xf32, #tpu.memory_space<hbm>>) dst(%arg8 : memref<128x128xf32, #tpu.memory_space<vmem>>)
      %mul3A_140 = arith.constant 128 : i32
      %mul3A_141 = arith.muli %add3A_114, %mul3A_140 : i32
      %add3A_142 = arith.addi %mul3A_2, %mul3A_141 : i32
      %dma_start3A_143 = arith.constant 0 : i32
      %dma_start3A_144 = tpu.memref_slice %arg4[%add3A_142, %dma_start3A_143] : memref<819200x128xf32, #tpu.memory_space<hbm>> -> memref<128x128xf32, #tpu.memory_space<hbm>>
      %dma_start3A_145 = arith.constant 0 : i32
      %dma_start3A_146 = tpu.memref_slice %arg4[%add3A_142, %dma_start3A_145] : memref<819200x128xf32, #tpu.memory_space<hbm>> -> memref<128x128xf32, #tpu.memory_space<hbm>>
      tpu.enqueue_dma source(%arg8 : memref<128x128xf32, #tpu.memory_space<vmem>>) target(%dma_start3A_146 : memref<128x128xf32, #tpu.memory_space<hbm>>) target_semaphore(%arg18 : memref<!tpu.dma_semaphore, #tpu.memory_space<semaphore_mem>>)
      %add3A_147 = arith.constant 3 : i32
      %add3A_148 = arith.addi %add3A_49, %add3A_147 : i32
      %add3A_149 = arith.constant 2 : i32
      %add3A_150 = arith.addi %add3A_148, %add3A_149 : i32
      %ge3A_151 = arith.constant 5 : i32
      %ge3A_152 = arith.cmpi sge, %add3A_150, %ge3A_151 : i32
      %add3A_153 = arith.constant 2 : i32
      %add3A_154 = arith.addi %add3A_148, %add3A_153 : i32
      %lt3A_155 = arith.constant 200 : i32
      %lt3A_156 = arith.cmpi slt, %add3A_154, %lt3A_155 : i32
      %and3A_157 = arith.andi %ge3A_152, %lt3A_156 : i1
      %convert_element_type3A_158 = arith.extui %and3A_157 : i1 to i32
      %cond3A_159 = arith.constant 0 : i32
      %cond3A_160 = arith.cmpi ne, %convert_element_type3A_158, %cond3A_159 : i32
      scf.if %cond3A_160 {
        %add3A_215 = arith.constant 2 : i32
        %add3A_216 = arith.addi %add3A_148, %add3A_215 : i32
        %sub3A = arith.constant 5 : i32
        %sub3A_217 = arith.subi %add3A_216, %sub3A : i32
        %mul3A_218 = arith.constant 128 : i32
        %mul3A_219 = arith.muli %sub3A_217, %mul3A_218 : i32
        %add3A_220 = arith.addi %mul3A_2, %mul3A_219 : i32
        %dma_wait3A_221 = arith.constant 0 : i32
        %dma_wait3A_222 = tpu.memref_slice %arg4[%add3A_220, %dma_wait3A_221] : memref<819200x128xf32, #tpu.memory_space<hbm>> -> memref<128x128xf32, #tpu.memory_space<hbm>>
        %dma_wait3A_223 = arith.constant 0 : i32
        %dma_wait3A_224 = tpu.memref_slice %arg4[%add3A_220, %dma_wait3A_223] : memref<819200x128xf32, #tpu.memory_space<hbm>> -> memref<128x128xf32, #tpu.memory_space<hbm>>
        tpu.wait_dma2 semaphore(%arg16 : memref<!tpu.dma_semaphore, #tpu.memory_space<semaphore_mem>>) src(%arg6 : memref<128x128xf32, #tpu.memory_space<vmem>>) dst(%dma_wait3A_224 : memref<128x128xf32, #tpu.memory_space<hbm>>)
      } else {
      }
      %add3A_161 = arith.constant 2 : i32
      %add3A_162 = arith.addi %add3A_148, %add3A_161 : i32
      %lt3A_163 = arith.constant 200 : i32
      %lt3A_164 = arith.cmpi slt, %add3A_162, %lt3A_163 : i32
      %convert_element_type3A_165 = arith.extui %lt3A_164 : i1 to i32
      %cond3A_166 = arith.constant 0 : i32
      %cond3A_167 = arith.cmpi ne, %convert_element_type3A_165, %cond3A_166 : i32
      scf.if %cond3A_167 {
        %add3A_215 = arith.constant 2 : i32
        %add3A_216 = arith.addi %add3A_148, %add3A_215 : i32
        %mul3A_217 = arith.constant 128 : i32
        %mul3A_218 = arith.muli %add3A_216, %mul3A_217 : i32
        %dma_start3A_219 = tpu.memref_slice %arg5[%mul3A_218] : memref<25600xi32, #tpu.memory_space<vmem>> -> memref<128xi32, #tpu.memory_space<vmem>>
        %dma_start3A_220 = arith.constant 0 : i32
        %dma_start3A_221 = arith.constant 0 : i32
        %dma_start3A_222 = tpu.memref_slice %arg2[%dma_start3A_220, %dma_start3A_221] : memref<100000x128xf32, #tpu.memory_space<hbm>> -> memref<100000x128xf32, #tpu.memory_space<hbm>>
        tpu.enqueue_indirect_dma source(%dma_start3A_222 : memref<100000x128xf32, #tpu.memory_space<hbm>>) target(%arg6 : memref<128x128xf32, #tpu.memory_space<vmem>>) offsets(%dma_start3A_219 : memref<128xi32, #tpu.memory_space<vmem>>) semaphore(%arg11 : memref<!tpu.dma_semaphore, #tpu.memory_space<semaphore_mem>>)
      } else {
      }
      %mul3A_168 = arith.constant 128 : i32
      %mul3A_169 = arith.muli %add3A_148, %mul3A_168 : i32
      %dma_wait3A_170 = tpu.memref_slice %arg5[%mul3A_169] : memref<25600xi32, #tpu.memory_space<vmem>> -> memref<128xi32, #tpu.memory_space<vmem>>
      %dma_wait3A_171 = arith.constant 0 : i32
      %dma_wait3A_172 = arith.constant 0 : i32
      %dma_wait3A_173 = tpu.memref_slice %arg2[%dma_wait3A_171, %dma_wait3A_172] : memref<100000x128xf32, #tpu.memory_space<hbm>> -> memref<100000x128xf32, #tpu.memory_space<hbm>>
      tpu.wait_indirect_dma semaphore(%arg14 : memref<!tpu.dma_semaphore, #tpu.memory_space<semaphore_mem>>) src(%dma_wait3A_173 : memref<100000x128xf32, #tpu.memory_space<hbm>>) dst(%arg9 : memref<128x128xf32, #tpu.memory_space<vmem>>)
      %mul3A_174 = arith.constant 128 : i32
      %mul3A_175 = arith.muli %add3A_148, %mul3A_174 : i32
      %add3A_176 = arith.addi %mul3A_2, %mul3A_175 : i32
      %dma_start3A_177 = arith.constant 0 : i32
      %dma_start3A_178 = tpu.memref_slice %arg4[%add3A_176, %dma_start3A_177] : memref<819200x128xf32, #tpu.memory_space<hbm>> -> memref<128x128xf32, #tpu.memory_space<hbm>>
      %dma_start3A_179 = arith.constant 0 : i32
      %dma_start3A_180 = tpu.memref_slice %arg4[%add3A_176, %dma_start3A_179] : memref<819200x128xf32, #tpu.memory_space<hbm>> -> memref<128x128xf32, #tpu.memory_space<hbm>>
      tpu.enqueue_dma source(%arg9 : memref<128x128xf32, #tpu.memory_space<vmem>>) target(%dma_start3A_180 : memref<128x128xf32, #tpu.memory_space<hbm>>) target_semaphore(%arg19 : memref<!tpu.dma_semaphore, #tpu.memory_space<semaphore_mem>>)
      %add3A_181 = arith.constant 4 : i32
      %add3A_182 = arith.addi %add3A_49, %add3A_181 : i32
      %add3A_183 = arith.constant 2 : i32
      %add3A_184 = arith.addi %add3A_182, %add3A_183 : i32
      %ge3A_185 = arith.constant 5 : i32
      %ge3A_186 = arith.cmpi sge, %add3A_184, %ge3A_185 : i32
      %add3A_187 = arith.constant 2 : i32
      %add3A_188 = arith.addi %add3A_182, %add3A_187 : i32
      %lt3A_189 = arith.constant 200 : i32
      %lt3A_190 = arith.cmpi slt, %add3A_188, %lt3A_189 : i32
      %and3A_191 = arith.andi %ge3A_186, %lt3A_190 : i1
      %convert_element_type3A_192 = arith.extui %and3A_191 : i1 to i32
      %cond3A_193 = arith.constant 0 : i32
      %cond3A_194 = arith.cmpi ne, %convert_element_type3A_192, %cond3A_193 : i32
      scf.if %cond3A_194 {
        %add3A_215 = arith.constant 2 : i32
        %add3A_216 = arith.addi %add3A_182, %add3A_215 : i32
        %sub3A = arith.constant 5 : i32
        %sub3A_217 = arith.subi %add3A_216, %sub3A : i32
        %mul3A_218 = arith.constant 128 : i32
        %mul3A_219 = arith.muli %sub3A_217, %mul3A_218 : i32
        %add3A_220 = arith.addi %mul3A_2, %mul3A_219 : i32
        %dma_wait3A_221 = arith.constant 0 : i32
        %dma_wait3A_222 = tpu.memref_slice %arg4[%add3A_220, %dma_wait3A_221] : memref<819200x128xf32, #tpu.memory_space<hbm>> -> memref<128x128xf32, #tpu.memory_space<hbm>>
        %dma_wait3A_223 = arith.constant 0 : i32
        %dma_wait3A_224 = tpu.memref_slice %arg4[%add3A_220, %dma_wait3A_223] : memref<819200x128xf32, #tpu.memory_space<hbm>> -> memref<128x128xf32, #tpu.memory_space<hbm>>
        tpu.wait_dma2 semaphore(%arg17 : memref<!tpu.dma_semaphore, #tpu.memory_space<semaphore_mem>>) src(%arg7 : memref<128x128xf32, #tpu.memory_space<vmem>>) dst(%dma_wait3A_224 : memref<128x128xf32, #tpu.memory_space<hbm>>)
      } else {
      }
      %add3A_195 = arith.constant 2 : i32
      %add3A_196 = arith.addi %add3A_182, %add3A_195 : i32
      %lt3A_197 = arith.constant 200 : i32
      %lt3A_198 = arith.cmpi slt, %add3A_196, %lt3A_197 : i32
      %convert_element_type3A_199 = arith.extui %lt3A_198 : i1 to i32
      %cond3A_200 = arith.constant 0 : i32
      %cond3A_201 = arith.cmpi ne, %convert_element_type3A_199, %cond3A_200 : i32
      scf.if %cond3A_201 {
        %add3A_215 = arith.constant 2 : i32
        %add3A_216 = arith.addi %add3A_182, %add3A_215 : i32
        %mul3A_217 = arith.constant 128 : i32
        %mul3A_218 = arith.muli %add3A_216, %mul3A_217 : i32
        %dma_start3A_219 = tpu.memref_slice %arg5[%mul3A_218] : memref<25600xi32, #tpu.memory_space<vmem>> -> memref<128xi32, #tpu.memory_space<vmem>>
        %dma_start3A_220 = arith.constant 0 : i32
        %dma_start3A_221 = arith.constant 0 : i32
        %dma_start3A_222 = tpu.memref_slice %arg2[%dma_start3A_220, %dma_start3A_221] : memref<100000x128xf32, #tpu.memory_space<hbm>> -> memref<100000x128xf32, #tpu.memory_space<hbm>>
        tpu.enqueue_indirect_dma source(%dma_start3A_222 : memref<100000x128xf32, #tpu.memory_space<hbm>>) target(%arg7 : memref<128x128xf32, #tpu.memory_space<vmem>>) offsets(%dma_start3A_219 : memref<128xi32, #tpu.memory_space<vmem>>) semaphore(%arg12 : memref<!tpu.dma_semaphore, #tpu.memory_space<semaphore_mem>>)
      } else {
      }
      %mul3A_202 = arith.constant 128 : i32
      %mul3A_203 = arith.muli %add3A_182, %mul3A_202 : i32
      %dma_wait3A_204 = tpu.memref_slice %arg5[%mul3A_203] : memref<25600xi32, #tpu.memory_space<vmem>> -> memref<128xi32, #tpu.memory_space<vmem>>
      %dma_wait3A_205 = arith.constant 0 : i32
      %dma_wait3A_206 = arith.constant 0 : i32
      %dma_wait3A_207 = tpu.memref_slice %arg2[%dma_wait3A_205, %dma_wait3A_206] : memref<100000x128xf32, #tpu.memory_space<hbm>> -> memref<100000x128xf32, #tpu.memory_space<hbm>>
      tpu.wait_indirect_dma semaphore(%arg15 : memref<!tpu.dma_semaphore, #tpu.memory_space<semaphore_mem>>) src(%dma_wait3A_207 : memref<100000x128xf32, #tpu.memory_space<hbm>>) dst(%arg10 : memref<128x128xf32, #tpu.memory_space<vmem>>)
      %mul3A_208 = arith.constant 128 : i32
      %mul3A_209 = arith.muli %add3A_182, %mul3A_208 : i32
      %add3A_210 = arith.addi %mul3A_2, %mul3A_209 : i32
      %dma_start3A_211 = arith.constant 0 : i32
      %dma_start3A_212 = tpu.memref_slice %arg4[%add3A_210, %dma_start3A_211] : memref<819200x128xf32, #tpu.memory_space<hbm>> -> memref<128x128xf32, #tpu.memory_space<hbm>>
      %dma_start3A_213 = arith.constant 0 : i32
      %dma_start3A_214 = tpu.memref_slice %arg4[%add3A_210, %dma_start3A_213] : memref<819200x128xf32, #tpu.memory_space<hbm>> -> memref<128x128xf32, #tpu.memory_space<hbm>>
      tpu.enqueue_dma source(%arg10 : memref<128x128xf32, #tpu.memory_space<vmem>>) target(%dma_start3A_214 : memref<128x128xf32, #tpu.memory_space<hbm>>) target_semaphore(%arg20 : memref<!tpu.dma_semaphore, #tpu.memory_space<semaphore_mem>>)
    }
    %scan3A_15 = arith.constant 40 : i32
    %add3A_16 = arith.constant 24960 : i32
    %add3A_17 = arith.addi %mul3A_2, %add3A_16 : i32
    %dma_wait3A = arith.constant 0 : i32
    %dma_wait3A_18 = tpu.memref_slice %arg4[%add3A_17, %dma_wait3A] : memref<819200x128xf32, #tpu.memory_space<hbm>> -> memref<128x128xf32, #tpu.memory_space<hbm>>
    %dma_wait3A_19 = arith.constant 0 : i32
    %dma_wait3A_20 = tpu.memref_slice %arg4[%add3A_17, %dma_wait3A_19] : memref<819200x128xf32, #tpu.memory_space<hbm>> -> memref<128x128xf32, #tpu.memory_space<hbm>>
    tpu.wait_dma2 semaphore(%arg16 : memref<!tpu.dma_semaphore, #tpu.memory_space<semaphore_mem>>) src(%arg6 : memref<128x128xf32, #tpu.memory_space<vmem>>) dst(%dma_wait3A_20 : memref<128x128xf32, #tpu.memory_space<hbm>>)
    %add3A_21 = arith.constant 25088 : i32
    %add3A_22 = arith.addi %mul3A_2, %add3A_21 : i32
    %dma_wait3A_23 = arith.constant 0 : i32
    %dma_wait3A_24 = tpu.memref_slice %arg4[%add3A_22, %dma_wait3A_23] : memref<819200x128xf32, #tpu.memory_space<hbm>> -> memref<128x128xf32, #tpu.memory_space<hbm>>
    %dma_wait3A_25 = arith.constant 0 : i32
    %dma_wait3A_26 = tpu.memref_slice %arg4[%add3A_22, %dma_wait3A_25] : memref<819200x128xf32, #tpu.memory_space<hbm>> -> memref<128x128xf32, #tpu.memory_space<hbm>>
    tpu.wait_dma2 semaphore(%arg17 : memref<!tpu.dma_semaphore, #tpu.memory_space<semaphore_mem>>) src(%arg7 : memref<128x128xf32, #tpu.memory_space<vmem>>) dst(%dma_wait3A_26 : memref<128x128xf32, #tpu.memory_space<hbm>>)
    %add3A_27 = arith.constant 25216 : i32
    %add3A_28 = arith.addi %mul3A_2, %add3A_27 : i32
    %dma_wait3A_29 = arith.constant 0 : i32
    %dma_wait3A_30 = tpu.memref_slice %arg4[%add3A_28, %dma_wait3A_29] : memref<819200x128xf32, #tpu.memory_space<hbm>> -> memref<128x128xf32, #tpu.memory_space<hbm>>
    %dma_wait3A_31 = arith.constant 0 : i32
    %dma_wait3A_32 = tpu.memref_slice %arg4[%add3A_28, %dma_wait3A_31] : memref<819200x128xf32, #tpu.memory_space<hbm>> -> memref<128x128xf32, #tpu.memory_space<hbm>>
    tpu.wait_dma2 semaphore(%arg18 : memref<!tpu.dma_semaphore, #tpu.memory_space<semaphore_mem>>) src(%arg8 : memref<128x128xf32, #tpu.memory_space<vmem>>) dst(%dma_wait3A_32 : memref<128x128xf32, #tpu.memory_space<hbm>>)
    %add3A_33 = arith.constant 25344 : i32
    %add3A_34 = arith.addi %mul3A_2, %add3A_33 : i32
    %dma_wait3A_35 = arith.constant 0 : i32
    %dma_wait3A_36 = tpu.memref_slice %arg4[%add3A_34, %dma_wait3A_35] : memref<819200x128xf32, #tpu.memory_space<hbm>> -> memref<128x128xf32, #tpu.memory_space<hbm>>
    %dma_wait3A_37 = arith.constant 0 : i32
    %dma_wait3A_38 = tpu.memref_slice %arg4[%add3A_34, %dma_wait3A_37] : memref<819200x128xf32, #tpu.memory_space<hbm>> -> memref<128x128xf32, #tpu.memory_space<hbm>>
    tpu.wait_dma2 semaphore(%arg19 : memref<!tpu.dma_semaphore, #tpu.memory_space<semaphore_mem>>) src(%arg9 : memref<128x128xf32, #tpu.memory_space<vmem>>) dst(%dma_wait3A_38 : memref<128x128xf32, #tpu.memory_space<hbm>>)
    %add3A_39 = arith.constant 25472 : i32
    %add3A_40 = arith.addi %mul3A_2, %add3A_39 : i32
    %dma_wait3A_41 = arith.constant 0 : i32
    %dma_wait3A_42 = tpu.memref_slice %arg4[%add3A_40, %dma_wait3A_41] : memref<819200x128xf32, #tpu.memory_space<hbm>> -> memref<128x128xf32, #tpu.memory_space<hbm>>
    %dma_wait3A_43 = arith.constant 0 : i32
    %dma_wait3A_44 = tpu.memref_slice %arg4[%add3A_40, %dma_wait3A_43] : memref<819200x128xf32, #tpu.memory_space<hbm>> -> memref<128x128xf32, #tpu.memory_space<hbm>>
    tpu.wait_dma2 semaphore(%arg20 : memref<!tpu.dma_semaphore, #tpu.memory_space<semaphore_mem>>) src(%arg10 : memref<128x128xf32, #tpu.memory_space<vmem>>) dst(%dma_wait3A_44 : memref<128x128xf32, #tpu.memory_space<hbm>>)
    return
  }
}

</mosaic_0001>

<sc_bundles>
// kernel: kernel.3.cloned.1.call-start
scs
__scs_entry_jumppad:
0x0: {  	(pc) =	sbr.rel $0x88, $3  }
0x1: {  	(tag) =	ssettag $0x0;
	lr =	simm.s32 $0x1  }
0x2: {  	[smem:$0x3F9F] =	sst lr;
	_ =	strace $0xD0000000  }
0x3: {  	_ = 	snop  }
0x4: {  	_ = 	snop  }
0x5: {  	_ = 	snop  }
0x6: {  	_ = 	snop  }
0x7: {  	_ = 	snop  }
__scs_overlays_trampoline_lowered:
0x8: {  	[smem:$0x3FAE] =	sst s0  }
0x9: {  	[smem:$0x3FAF] =	sst s1  }
0xa: {  	[smem:$0x3FB0] =	sst s2  }
0xb: {  	[smem:$0x3FB1] =	sst s3  }
0xc: {  	[smem:$0x3FB2] =	sst s4  }
0xd: {  	[smem:$0x3FB3] =	sst s5  }
0xe: {  	[smem:$0x3FB4] =	sst s6  }
0xf: {  	[smem:$0x3FB5] =	sst s7  }
0x10: {  	[smem:$0x3FB6] =	sst s8  }
0x11: {  	[smem:$0x3FB7] =	sst s9;
	s0 =	simm.s32 @!p0 $0x0  }
0x12: {  	s1 =	sld [smem:$0x3F9D];
	s0 =	simm.s32 @p0 $0x1  }
0x13: {  	[smem:$0x3FB8] =	sst s0;
	s0 =	simm.s32 @!p1 $0x0  }
0x14: {  	s2 =	sld [smem:$0x3F9C];
	s0 =	simm.s32 @p1 $0x1  }
0x15: {  	[smem:$0x3FB9] =	sst s0;
	s0 =	simm.s32 @!p2 $0x0  }
0x16: {  	s3 =	sld [smem:$0x3FDB];
	s0 =	simm.s32 @p2 $0x1  }
0x17: {  	s4 =	simm.s32 $0x1BF5;
	[smem:$0x3FBB] =	sst s0  }
0x18: {  	s0 =	sld [smem:$0x3F9E];
	_ =	swait.ge [sflag:s4], $0x0  }
0x19: {  	s7 =	sld [smem:$0x3F9F]  }
0x1a: {  	s8 =	sadd.s32 $0xFFFFE003, lr  }
0x1b: {  	s9 =	sadd.s32 $0xFFFFFEF7, lr;
	s5 =	simm.s32 $0xFFFFFFFF;
	p2 =	slt.u32 s8, $0xFFFFF086  }
0x1c: {  	p1 =	slt.u32 s9, $0xF7A;
	s5 =	simm.s32 @!p2 $0x0  }
0x1d: {  	s5 =	simm.s32 @p1 $0x1;
	p0 =	seq.s32 s7, s2  }
0x1e: {  	s7 =	smul.u32 @!p0 $0xF7A, s2;
	p2 =	seq.s32 @!p0 s5, $0x0  }
0x1f: {  	s9 =	smul.u32 $0xF7A, s1;
	s8 =	simm.s32 @!p0 $0x1BF5;
	p2 =	por !p2, p0  }
0x20: {  	[sflag:s8] =	ssyncset.s32 @!p0 $0xFFFFF086;
	s6 =	sadd.s32 @!p0 s3, s7;
	s7 =	simm.s32 @!p0 $0x108  }
0x21: {  	s3 =	sadd.s32 s3, s9;
	s6 =	sadd.s32 @!p0 $0x88, s6;
	s7 =	simm.s32 @p2 $0x1082  }
0x22: {  	[simem:s7], [sflag:s8] =	dma.local @!p0 [hbm:s6], $0xF7A  }
0x23: {  	s9 =	sor.u32 $0xD0000000, s2;
	s6 =	simm.s32 $0x108;
	_ =	swait.ge @!p0 [sflag:s8], $0x0  }
0x24: {  	s3 =	sadd.s32 $0x88, s3;
	s6 =	simm.s32 @!p1 $0x1082;
	[sflag:s4] =	ssyncset.s32 $0xFFFFF086  }
0x25: {  	[simem:s6], [sflag:s4] =	dma.local [hbm:s3], $0xF7A  }
0x26: {  	[smem:$0x3F9F] =	sst s1;
	(tag) =	ssettag s2;
	_ =	strace s9  }
0x27: {  	s1 =	sld [smem:$0x3FAF]  }
0x28: {  	s2 =	sld [smem:$0x3FB0]  }
0x29: {  	s4 =	sld [smem:$0x3FB2]  }
0x2a: {  	p0 =	seq.s32 s5, $0x0;
	s5 =	sld [smem:$0x3FB3]  }
0x2b: {  	s6 =	sld [smem:$0x3FB4]  }
0x2c: {  	s7 =	sld [smem:$0x3FB5]  }
0x2d: {  	s3 =	simm.s32 $0x108;
	s8 =	sld [smem:$0x3FB6]  }
0x2e: {  	s3 =	simm.s32 @!p0 $0x1082;
	s9 =	sld [smem:$0x3FB7]  }
0x2f: {  	lr =	sadd.s32 s0, s3;
	s0 =	sld [smem:$0x3FAE]  }
0x30: {  	s3 =	sld [smem:$0x3FB1]  }
0x31: {  	[smem:$0x3FBA] =	sst s10  }
0x32: {  	s10 =	sld [smem:$0x3FB8];
	_ =	sdelay $0x3  }
0x33: {  	p0 =	seq.s32 s10, $0x1;
	s10 =	sld [smem:$0x3FBA];
	_ =	sdelay $0x3  }
0x34: {  	[smem:$0x3FBA] =	sst s10  }
0x35: {  	s10 =	sld [smem:$0x3FB9];
	_ =	sdelay $0x3  }
0x36: {  	p1 =	seq.s32 s10, $0x1;
	s10 =	sld [smem:$0x3FBA];
	_ =	sdelay $0x3  }
0x37: {  	[smem:$0x3FBA] =	sst s10  }
0x38: {  	s10 =	sld [smem:$0x3FBB]  }
0x39: {  	_ = 	snop;
	(pc) =	sbr.ind lr, $3  }
0x3a: {  	_ = 	snop  }
0x3b: {  	_ = 	snop  }
0x3c: {  	p2 =	seq.s32 s10, $0x1;
	s10 =	sld [smem:$0x3FBA]  }
0x3d: {  	_ =	shalt  }
0x3e: {  	_ =	shalt  }
0x3f: {  	_ =	shalt  }
0x40: {  	_ =	shalt  }
0x41: {  	_ =	shalt  }
0x42: {  	_ =	shalt  }
0x43: {  	_ =	shalt  }
0x44: {  	_ =	shalt  }
0x45: {  	_ =	shalt  }
0x46: {  	_ =	shalt  }
0x47: {  	_ =	shalt  }
0x48: {  	_ =	shalt  }
0x49: {  	_ =	shalt  }
0x4a: {  	_ =	shalt  }
0x4b: {  	_ =	shalt  }
0x4c: {  	_ =	shalt  }
0x4d: {  	_ =	shalt  }
0x4e: {  	_ =	shalt  }
0x4f: {  	_ =	shalt  }
0x50: {  	_ =	shalt  }
0x51: {  	_ =	shalt  }
0x52: {  	_ =	shalt  }
0x53: {  	_ =	shalt  }
0x54: {  	_ =	shalt  }
0x55: {  	_ =	shalt  }
0x56: {  	_ =	shalt  }
0x57: {  	_ =	shalt  }
0x58: {  	_ =	shalt  }
0x59: {  	_ =	shalt  }
0x5a: {  	_ =	shalt  }
0x5b: {  	_ =	shalt  }
0x5c: {  	_ =	shalt  }
0x5d: {  	_ =	shalt  }
0x5e: {  	_ =	shalt  }
0x5f: {  	_ =	shalt  }
0x60: {  	_ =	shalt  }
0x61: {  	_ =	shalt  }
0x62: {  	_ =	shalt  }
0x63: {  	_ =	shalt  }
0x64: {  	_ =	shalt  }
0x65: {  	_ =	shalt  }
0x66: {  	_ =	shalt  }
0x67: {  	_ =	shalt  }
0x68: {  	_ =	shalt  }
0x69: {  	_ =	shalt  }
0x6a: {  	_ =	shalt  }
0x6b: {  	_ =	shalt  }
0x6c: {  	_ =	shalt  }
0x6d: {  	_ =	shalt  }
0x6e: {  	_ =	shalt  }
0x6f: {  	_ =	shalt  }
0x70: {  	_ =	shalt  }
0x71: {  	_ =	shalt  }
0x72: {  	_ =	shalt  }
0x73: {  	_ =	shalt  }
0x74: {  	_ =	shalt  }
0x75: {  	_ =	shalt  }
0x76: {  	_ =	shalt  }
0x77: {  	_ =	shalt  }
0x78: {  	_ =	shalt  }
0x79: {  	_ =	shalt  }
0x7a: {  	_ =	shalt  }
0x7b: {  	_ =	shalt  }
0x7c: {  	_ =	shalt  }
0x7d: {  	_ =	shalt  }
0x7e: {  	_ =	shalt  }
0x7f: {  	_ =	shalt  }
0x80: {  	_ =	shalt  }
0x81: {  	_ =	shalt  }
0x82: {  	_ =	shalt  }
0x83: {  	_ =	shalt  }
0x84: {  	_ =	shalt  }
0x85: {  	_ =	shalt  }
0x86: {  	_ =	shalt  }
0x87: {  	_ =	shalt  }
.Lfunc_end0:
.L_simem_size_0:
called_computation_lowered:
.L_overlay_start_0:
0x88: {  	s2 =	sld [smem:$0x3FD9]  }
0x89: {  	s3 =	sld [smem:$0x3FFE];
	_ =	sdelay $0x1  }
0x8a: {  	s1 =	srdreg.scid  }
0x8b: {  	s0 =	sand.u32 $0x1, s1  }
0x8c: {  	s17 =	sshll.u32 s0, $0xA;
	s2 =	sadd.s32 s3, s2  }
0x8d: {  	s2 =	sadd.s32 s2, s17  }
0x8e: {  	[smem:$0x3FC6] =	sst s2  }
0x8f: {  	_ = 	snop  }
0x90: {  	s2 =	sld [smem:$0x3FC8]  }
0x91: {  	s18 =	sld [smem:$0x3FD0];
	(tm) =	ssettm $0x1  }
0x92: {  	s4 =	sld [smem:$0x3FFB];
	_ =	sdelay $0x3  }
0x93: {  	_ =	strace s4  }
0x94: {  	s4 =	sld [smem:$0x3FFC];
	_ =	sdelay $0x3  }
0x95: {  	_ =	strace s4  }
0x96: {  	s4 =	sld [smem:$0x3FFD];
	_ =	sdelay $0x3  }
0x97: {  	_ =	strace s4  }
0x98: {  	_ =	strace $0x8FFFFFFF  }
0x99: {  	s19 =	sld [smem:$0x3FDB];
	_ =	sdelay $0x1  }
0x9a: {  	s5 =	simm.s32 $_scs_section_size  }
0x9b: {  	s6 =	simm.s32 $_size__tile_overlayer_lowered;
	s7 =	simm.s32 $_tile_overlayer_lowered  }
0x9c: {  	s22 =	simm.s32 $0x1BFF;
	s21 =	sshll.u32 s7, $0x1;
	s4 =	sadd.s32 s5, s19  }
0x9d: {  	s8 =	simm.s32 $0x0;
	s20 =	sshll.u32 s6, $0x1;
	s6 =	sadd.s32 s21, s4  }
0x9e: {  	[timem:s8], [sflag:s22] =	dma.local [hbm:s6], s20  }
0x9f: {  	_ =	swait.ge [sflag:s22], s20  }
0xa0: {  	s5 =	ssub.s32 $0x0, s20;
	[sflag:s22] =	ssyncset.done $0x0  }
0xa1: {  	[sflag:s22] =	ssyncadd.s32 s5;
	_ =	sdelay $0x1  }
0xa2: {  	s23 =	simm.s32 $0x1B8B  }
0xa3: {  	_ =	swait.ge [sflag:s23], $0x1  }
0xa4: {  	[sflag:s23] =	ssyncset.done $0x0  }
0xa5: {  	s25 =	simm.s32 $0x1B8E;
	s24 =	sld [smem:$0x3FFE];
	[sflag:s23] =	ssyncadd.s32 $0xFFFFFFFF  }
0xa6: {  	s26 =	simm.s32 $execute0_lowered;
	[smem:$0x3FD2] =	sst s25  }
0xa7: {  	s6 =	sshll.u32 s26, $0x1;
	_ =	strace $0x80000046;
	[dreg:$0x1] =	wrdreg $0xFFFFFFFF  }
0xa8: {  	s28 =	simm.s32 $_size_execute0_lowered;
	s4 =	sadd.s32 s4, s6;
	[dreg:$0x0] =	wrdreg $0x0  }
0xa9: {  	s6 =	sshll.u32 s28, $0x1;
	[dreg:$0x2] =	wrdreg s4  }
0xaa: {  	[dreg:$0x3] =	wrdreg s6  }
0xab: {  	[dreg:$0x4] =	wrdreg $0xC0  }
0xac: {  	_ =	task [dreg:s8], $0x5FFFF  }
0xad: {  	[dreg:$0x1] =	wrdreg $0xFFFFFFFF  }
0xae: {  	[dreg:$0x0] =	wrdreg $0x60  }
0xaf: {  	[dreg:$0x2] =	wrdreg s2  }
0xb0: {  	[dreg:$0x3] =	wrdreg s24  }
0xb1: {  	[dreg:$0x4] =	wrdreg s18  }
0xb2: {  	[dreg:$0x5] =	wrdreg $0x9  }
0xb3: {  	_ =	task.clear_ibuf [dreg:s8], $0x6FFFF;
	_ =	strace $0x90000046  }
0xb4: {  	s29 =	simm.s32 $0x9;
	_ =	strace $0x80000048  }
0xb5: {  	_ =	swait.ge [sflag:s29], $0x1  }
0xb6: {  	[sflag:s29] =	ssyncadd.s32 $0xFFFFFFFF  }
0xb7: {  	_ =	strace $0x90000048  }
0xb8: {  	_ =	sfence  }
0xb9: {  	s30 =	sld [smem:$0x0];
	_ =	sdelay $0x2  }
0xba: {  	s31 =	sshll.u32 s1, $0xD;
	s1 =	sshrl.u32 s1, $0x2  }
0xbb: {  	s3 =	sand.u32 $0x4000, s31;
	s1 =	sadd.s32 s1, s30  }
0xbc: {  	s0 =	sor.u32 s3, s0;
	s1 =	sshll.u32 s1, $0x11  }
0xbd: {  	s0 =	sor.u32 s1, s0  }
0xbe: {  	s0 =	sadd.s32 $0x8F2B, s0  }
0xbf: {  	[sflag:s0] =	ssyncadd.remote.s32 $0x1  }
0xc0: {  	_ =	sfence.sel $0xFFFF  }
0xc1: {  	[dreg:$0x0] =	wrdreg $0xFFFFFFFF;
	(pc) =	sbr.abs _section_cstart, $3  }
0xc2: {  	[dreg:$0x1] =	wrdreg $0xFFFFFFFF  }
0xc3: {  	_ =	task.clear_ibuf [dreg:s8], $0x2FFFF;
	_ =	strace $0x9FFFFFFF  }
0xc4: {  	(tm) =	ssettm $0x7FFFFFFF  }
0xc5: {  	_ =	shalt  }
tec
execute0_lowered:
.L_overlay_start_1:
0x0: {  	(tag) =	ssettag $0x1  }
0x1: {  	s0 =	srdreg.scid;
	s2 =	rddreg [dreg:$0x0]  }
0x2: {  	s7 =	stileid.u32;
	s3 =	rddreg [dreg:$0x1]  }
0x3: {  	s4 =	simm.s32 $0x0;
	s10 =	simm.s32 $0xA400;
	s11 =	simm.s32 $0xE400  }
0x4: {  	s12 =	simm.s32 $0x1;
	s13 =	simm.s32 $0x12400;
	s14 =	simm.s32 $0x2  }
0x5: {  	s15 =	simm.s32 $0x16400;
	s16 =	simm.s32 $0x3;
	s17 =	simm.s32 $0x4  }
0x6: {  	s18 =	simm.s32 $0x5;
	s21 =	simm.s32 $0x8;
	s6 =	smul.u32 $0xC8000, s7  }
0x7: {  	s0 =	sand.u32 $0x1, s0;
	s1 =	sshll.u32 s7, $0x1;
	s7 =	smul.u32 $0x640000, s7  }
0x8: {  	s22 =	simm.s32 $0x9;
	s23 =	simm.s32 $0xA;
	s8 =	smul.u32 $0x320000, s0  }
0x9: {  	[smem:$0x7FF] =	sst s4;
	s1 =	sor.u32 s0, s1;
	s9 =	smul.u32 $0x64000, s0  }
0xa: {  	s0 =	ssub.s32 $0x2, s0;
	s5 =	smul.u32 $0x6400, s1;
	s1 =	rddreg [dreg:$0x2]  }
0xb: {  	_ =	strace $0x80000047;
	s26 =	sshrl.u32 s0, $0x1;
	s25 =	sadd.s32 s8, s7  }
0xc: {  	s6 =	sadd.s32 s9, s6;
	s0 =	ssub.s32 s0, s26;
	s5 =	sshrl.u32 s5, $0x3  }
0xd: {  	s8 =	sor.u32 $0x10000, s25;
	[dreg:$0x4] =	wrdreg s6;
	s0 =	smax.u32 s0, $0x1  }
0xe: {  	s29 =	sor.u32 $0xC000, s25;
	s28 =	sshrl.u32 s8, $0x3;
	[dreg:$0x9] =	wrdreg s0  }
0xf: {  	s3 =	sadd.s32 s5, s3;
	s30 =	sshrl.u32 s29, $0x3;
	[dreg:$0x5] =	wrdreg s28  }
0x10: {  	s5 =	sor.u32 $0x8000, s25;
	[dreg:$0x6] =	wrdreg s30;
	s3 =	sadd.s32 $0x400, s3  }
0x11: {  	s24 =	simm.s32 $0x0;
	s31 =	sshrl.u32 s5, $0x3;
	[dreg:$0x8] =	wrdreg s3  }
0x12: {  	s9 =	simm.s32 $0x6400;
	s8 =	simm.s32 $0x80;
	[dreg:$0x7] =	wrdreg s31  }
.LBB2_1:
0x13: {  	s0 =	rddreg [dreg:$0x8];
	s6 =	simm.s32 $0xB  }
0x14: {  	[tilespmem:s4], [sflag:$0xB] =	stream.linear.gather [hbm4b:s0+s4], $0x6400, $0x38;
	[tilespmem:$0x1A400] =	vst v63  }
0x15: {  	_ =	swait.ge [sflag:s6], $0x6400  }
0x16: {  	p0 =	por $0x1, $0x1;
	[sflag:s6] =	ssyncset.done $0x0  }
0x17: {  	p0 =	por p0, p0;
	[sflag:s6] =	ssyncadd.s32 $0xFFFF9C00  }
0x18: {  	[tilespmem:s9], [sflag:$0x1] =	stream.indirect.gather [hbm4b:s2+s8], $0x80, s4, s8, $0xb8;
	[tilespmem:$0x1A400] =	vst v63  }
0x19: {  	s0 =	simm.s32 @!p0 $0x8  }
0x1a: {  	[tilespmem:s10], [sflag:$0x2] =	stream.indirect.gather [hbm4b:s2+s8], $0x80, s8, s8, $0xb8;
	[tilespmem:$0x1A400] =	vst v63  }
0x1b: {  	_ =	swait.ge @!p0 [sflag:s0], $0x4000  }
0x1c: {  	[sflag:s0] =	ssyncset.done @!p0 $0x0  }
0x1d: {  	s7 =	simm.s32 $0x100;
	[sflag:s0] =	ssyncadd.s32 @!p0 $0xFFFFC000  }
0x1e: {  	[tilespmem:s11], [sflag:$0x3] =	stream.indirect.gather [hbm4b:s2+s8], $0x80, s7, s8, $0xb8;
	[tilespmem:$0x1A400] =	vst v63  }
0x1f: {  	_ =	swait.ge [sflag:s12], $0x4000  }
0x20: {  	p0 =	por $0x1, $0x1;
	s19 =	rddreg [dreg:$0x4];
	[sflag:s12] =	ssyncset.done $0x0  }
0x21: {  	s3 =	simm.s32 @!p0 $0x9;
	[sflag:s12] =	ssyncadd.s32 $0xFFFFC000;
	s0 =	sadd.s32 s1, s19  }
0x22: {  	[hbm4b:s0+s4] =	stream.linear.scatter [tilespmem:s9], [sflag:$0x6], $0x4000, $0x38;
	[tilespmem:$0x1A400] =	vst v63  }
0x23: {  	_ =	swait.ge @!p0 [sflag:s3], $0x4000  }
0x24: {  	[sflag:s3] =	ssyncset.done @!p0 $0x0  }
0x25: {  	s25 =	simm.s32 $0x180;
	[sflag:s3] =	ssyncadd.s32 @!p0 $0xFFFFC000  }
0x26: {  	[tilespmem:s13], [sflag:$0x4] =	stream.indirect.gather [hbm4b:s2+s8], $0x80, s25, s8, $0xb8;
	[tilespmem:$0x1A400] =	vst v63  }
0x27: {  	_ =	swait.ge [sflag:s14], $0x4000  }
0x28: {  	p0 =	por $0x1, $0x1;
	[sflag:s14] =	ssyncset.done $0x0  }
0x29: {  	s0 =	sadd.s32 $0x800, s0;
	s3 =	simm.s32 @!p0 $0xA;
	[sflag:s14] =	ssyncadd.s32 $0xFFFFC000  }
0x2a: {  	[hbm4b:s0+s4] =	stream.linear.scatter [tilespmem:s10], [sflag:$0x7], $0x4000, $0x38;
	[tilespmem:$0x1A400] =	vst v63  }
0x2b: {  	_ =	swait.ge @!p0 [sflag:s3], $0x4000  }
0x2c: {  	[sflag:s3] =	ssyncset.done @!p0 $0x0  }
0x2d: {  	s20 =	simm.s32 $0x200;
	[sflag:s3] =	ssyncadd.s32 @!p0 $0xFFFFC000  }
0x2e: {  	[tilespmem:s15], [sflag:$0x5] =	stream.indirect.gather [hbm4b:s2+s8], $0x80, s20, s8, $0xb8;
	[tilespmem:$0x1A400] =	vst v63  }
0x2f: {  	_ =	swait.ge [sflag:s16], $0x4000  }
0x30: {  	p0 =	por $0x0, $0x0;
	s25 =	rddreg [dreg:$0x7];
	[sflag:s16] =	ssyncset.done $0x0  }
0x31: {  	s3 =	simm.s32 @!p0 $0x6;
	[sflag:s16] =	ssyncadd.s32 $0xFFFFC000;
	s0 =	sadd.s32 s1, s25  }
0x32: {  	[hbm4b:s0+s4] =	stream.linear.scatter [tilespmem:s11], [sflag:$0x8], $0x4000, $0x38;
	[tilespmem:$0x1A400] =	vst v63  }
0x33: {  	_ =	swait.ge @!p0 [sflag:s3], $0x4000  }
0x34: {  	s26 =	simm.s32 @!p0 $0x6400;
	[sflag:s3] =	ssyncset.done @!p0 $0x0  }
0x35: {  	s25 =	simm.s32 @!p0 $0x80;
	s0 =	simm.s32 @!p0 $0x280;
	[sflag:s3] =	ssyncadd.s32 @!p0 $0xFFFFC000  }
0x36: {  	[tilespmem:s26], [sflag:$0x1] =	stream.indirect.gather @!p0 [hbm4b:s2+s25], $0x80, s0, s25, $0xb8;
	[tilespmem:$0x1A400] =	vst v63  }
0x37: {  	_ =	swait.ge [sflag:s17], $0x4000  }
0x38: {  	s26 =	rddreg [dreg:$0x6];
	[sflag:s17] =	ssyncset.done $0x0  }
0x39: {  	s3 =	simm.s32 @!p0 $0x7;
	[sflag:s17] =	ssyncadd.s32 $0xFFFFC000;
	s0 =	sadd.s32 s1, s26  }
0x3a: {  	[hbm4b:s0+s4] =	stream.linear.scatter [tilespmem:s13], [sflag:$0x9], $0x4000, $0x38;
	[tilespmem:$0x1A400] =	vst v63  }
0x3b: {  	s29 =	simm.s32 $0x2;
	p1 =	por $0x0, $0x0;
	_ =	swait.ge @!p0 [sflag:s3], $0x4000  }
0x3c: {  	s31 =	simm.s32 $0x1400;
	s30 =	simm.s32 $0x2;
	[sflag:s3] =	ssyncset.done @!p0 $0x0  }
0x3d: {  	s28 =	simm.s32 @!p0 $0xA400;
	s0 =	simm.s32 @!p0 $0x300;
	[sflag:s3] =	ssyncadd.s32 @!p0 $0xFFFFC000  }
0x3e: {  	[tilespmem:s28], [sflag:$0x2] =	stream.indirect.gather @!p0 [hbm4b:s2+s25], $0x80, s0, s25, $0xb8;
	[tilespmem:$0x1A400] =	vst v63  }
0x3f: {  	s26 =	simm.s32 $0xA00;
	s3 =	smov.u32 s1;
	_ =	swait.ge [sflag:s18], $0x4000  }
0x40: {  	s28 =	simm.s32 $0x4;
	p0 =	por p1, p1;
	[sflag:s18] =	ssyncset.done $0x0  }
0x41: {  	s25 =	sadd.s32 $0x2800, s1;
	s0 =	rddreg [dreg:$0x5];
	[sflag:s18] =	ssyncadd.s32 $0xFFFFC000  }
.LBB2_2:
0x42: {  	s5 =	simm.s32 @!p0 $0x8;
	s6 =	sadd.s32 s3, s0  }
0x43: {  	[hbm4b:s6+s4] =	stream.linear.scatter [tilespmem:s15], [sflag:$0xA], $0x4000, $0x38;
	[tilespmem:$0x1A400] =	vst v63  }
0x44: {  	_ =	swait.ge @!p0 [sflag:s5], $0x4000  }
0x45: {  	s29 =	sadd.s32 $0x5, s29;
	s7 =	sshra.s32 s26, $0x2;
	[sflag:s5] =	ssyncset.done @!p0 $0x0  }
0x46: {  	p2 =	sgt.u32 s29, $0xC2;
	s19 =	sadd.s32 $0x100, s7;
	[sflag:s5] =	ssyncadd.s32 @!p0 $0xFFFFC000  }
0x47: {  	[tilespmem:s11], [sflag:$0x3] =	stream.indirect.gather [hbm4b:s2+s8], $0x80, s19, s8, $0xb8;
	[tilespmem:$0x1A400] =	vst v63  }
0x48: {  	p0 =	por p2, p2;
	s19 =	sadd.s32 $0x1, s30;
	_ =	swait.ge [sflag:s12], $0x4000  }
0x49: {  	p2 =	sgt.u32 s19, $0xC2;
	s20 =	rddreg [dreg:$0x4];
	[sflag:s12] =	ssyncset.done $0x0  }
0x4a: {  	s19 =	simm.s32 @!p2 $0x9;
	[sflag:s12] =	ssyncadd.s32 $0xFFFFC000;
	s5 =	sadd.s32 s25, s20  }
0x4b: {  	[hbm4b:s5+s4] =	stream.linear.scatter [tilespmem:s9], [sflag:$0x6], $0x4000, $0x38;
	[tilespmem:$0x1A400] =	vst v63  }
0x4c: {  	_ =	swait.ge @!p2 [sflag:s19], $0x4000  }
0x4d: {  	[sflag:s19] =	ssyncset.done @!p2 $0x0  }
0x4e: {  	s20 =	sadd.s32 $0x180, s7;
	[sflag:s19] =	ssyncadd.s32 @!p2 $0xFFFFC000  }
0x4f: {  	[tilespmem:s13], [sflag:$0x4] =	stream.indirect.gather [hbm4b:s2+s8], $0x80, s20, s8, $0xb8;
	[tilespmem:$0x1A400] =	vst v63  }
0x50: {  	_ =	swait.ge [sflag:s14], $0x4000  }
0x51: {  	p2 =	sgt.u32 s28, $0xC2;
	[sflag:s14] =	ssyncset.done $0x0  }
0x52: {  	s5 =	sadd.s32 $0x800, s5;
	s19 =	simm.s32 @!p2 $0xA;
	[sflag:s14] =	ssyncadd.s32 $0xFFFFC000  }
0x53: {  	[hbm4b:s5+s4] =	stream.linear.scatter [tilespmem:s10], [sflag:$0x7], $0x4000, $0x38;
	[tilespmem:$0x1A400] =	vst v63  }
0x54: {  	_ =	swait.ge @!p2 [sflag:s19], $0x4000  }
0x55: {  	[sflag:s19] =	ssyncset.done @!p2 $0x0  }
0x56: {  	s6 =	sadd.s32 $0x2, s29;
	s7 =	sadd.s32 $0x200, s7;
	[sflag:s19] =	ssyncadd.s32 @!p2 $0xFFFFC000  }
0x57: {  	[tilespmem:s15], [sflag:$0x5] =	stream.indirect.gather [hbm4b:s2+s8], $0x80, s7, s8, $0xb8;
	[tilespmem:$0x1A400] =	vst v63  }
0x58: {  	s28 =	smov.u32 s6;
	_ =	swait.ge [sflag:s16], $0x4000  }
0x59: {  	p2 =	seq.s32 s26, $0x18600;
	s19 =	rddreg [dreg:$0x7];
	[sflag:s16] =	ssyncset.done $0x0  }
0x5a: {  	s6 =	simm.s32 @!p2 $0x6;
	[sflag:s16] =	ssyncadd.s32 $0xFFFFC000;
	s5 =	sadd.s32 s25, s19  }
0x5b: {  	[hbm4b:s5+s4] =	stream.linear.scatter [tilespmem:s11], [sflag:$0x8], $0x4000, $0x38;
	[tilespmem:$0x1A400] =	vst v63  }
0x5c: {  	_ =	swait.ge @!p2 [sflag:s6], $0x4000  }
0x5d: {  	s7 =	sshra.s32 @!p2 s26, $0x2;
	s20 =	simm.s32 @!p2 $0x6400;
	[sflag:s6] =	ssyncset.done @!p2 $0x0  }
0x5e: {  	s19 =	simm.s32 @!p2 $0x80;
	s5 =	sadd.s32 @!p2 $0x280, s7;
	[sflag:s6] =	ssyncadd.s32 @!p2 $0xFFFFC000  }
0x5f: {  	[tilespmem:s20], [sflag:$0x1] =	stream.indirect.gather @!p2 [hbm4b:s2+s19], $0x80, s5, s19, $0xb8;
	[tilespmem:$0x1A400] =	vst v63  }
0x60: {  	s0 =	smov.u32 s31;
	_ =	swait.ge [sflag:s17], $0x4000  }
0x61: {  	s26 =	smov.u32 s0;
	s20 =	rddreg [dreg:$0x6];
	[sflag:s17] =	ssyncset.done $0x0  }
0x62: {  	s5 =	simm.s32 @!p2 $0x7;
	[sflag:s17] =	ssyncadd.s32 $0xFFFFC000;
	s0 =	sadd.s32 s25, s20  }
0x63: {  	[hbm4b:s0+s4] =	stream.linear.scatter [tilespmem:s13], [sflag:$0x9], $0x4000, $0x38;
	[tilespmem:$0x1A400] =	vst v63  }
0x64: {  	s31 =	sadd.s32 $0xA00, s31;
	_ =	swait.ge @!p2 [sflag:s5], $0x4000  }
0x65: {  	p1 =	sne.s32 s31, $0x19000;
	s7 =	sadd.s32 @!p2 $0x300, s7;
	[sflag:s5] =	ssyncset.done @!p2 $0x0  }
.Ltmp0:
0x66: {  	s0 =	simm.s32 @!p2 $0xA400;
	[sflag:s5] =	ssyncadd.s32 @!p2 $0xFFFFC000;
	(pc) =	sbr.rel @p1 .LBB2_2-.Ltmp0, $4  }
0x67: {  	[tilespmem:s0], [sflag:$0x2] =	stream.indirect.gather @!p2 [hbm4b:s2+s19], $0x80, s7, s19, $0xb8;
	[tilespmem:$0x1A400] =	vst v63  }
0x68: {  	_ =	swait.ge [sflag:s18], $0x4000  }
0x69: {  	s3 =	smov.u32 s25;
	s30 =	smov.u32 s29;
	[sflag:s18] =	ssyncset.done $0x0  }
0x6a: {  	s25 =	sadd.s32 $0x2800, s25;
	s0 =	rddreg [dreg:$0x5];
	[sflag:s18] =	ssyncadd.s32 $0xFFFFC000  }
0x6b: {  	s0 =	sadd.s32 s3, s0;
	s3 =	simm.s32 @!p0 $0x8  }
0x6c: {  	[hbm4b:s0+s4] =	stream.linear.scatter [tilespmem:s15], [sflag:$0xA], $0x4000, $0x38;
	[tilespmem:$0x1A400] =	vst v63  }
0x6d: {  	_ =	swait.ge @!p0 [sflag:s3], $0x4000  }
0x6e: {  	s31 =	sshra.s32 s26, $0x2;
	[sflag:s3] =	ssyncset.done @!p0 $0x0  }
0x6f: {  	s6 =	sadd.s32 $0x100, s31;
	[sflag:s3] =	ssyncadd.s32 @!p0 $0xFFFFC000  }
0x70: {  	[tilespmem:s11], [sflag:$0x3] =	stream.indirect.gather [hbm4b:s2+s8], $0x80, s6, s8, $0xb8;
	[tilespmem:$0x1A400] =	vst v63  }
0x71: {  	s5 =	sadd.s32 $0x1, s30;
	_ =	swait.ge [sflag:s12], $0x4000  }
0x72: {  	p0 =	sgt.u32 s5, $0xC2;
	s7 =	rddreg [dreg:$0x4];
	[sflag:s12] =	ssyncset.done $0x0  }
0x73: {  	s5 =	simm.s32 @!p0 $0x9;
	[sflag:s12] =	ssyncadd.s32 $0xFFFFC000;
	s3 =	sadd.s32 s25, s7  }
0x74: {  	[hbm4b:s3+s4] =	stream.linear.scatter [tilespmem:s9], [sflag:$0x6], $0x4000, $0x38;
	[tilespmem:$0x1A400] =	vst v63  }
0x75: {  	_ =	swait.ge @!p0 [sflag:s5], $0x4000  }
0x76: {  	[sflag:s5] =	ssyncset.done @!p0 $0x0  }
0x77: {  	s19 =	sadd.s32 $0x180, s31;
	[sflag:s5] =	ssyncadd.s32 @!p0 $0xFFFFC000  }
0x78: {  	[tilespmem:s13], [sflag:$0x4] =	stream.indirect.gather [hbm4b:s2+s8], $0x80, s19, s8, $0xb8;
	[tilespmem:$0x1A400] =	vst v63  }
0x79: {  	_ =	swait.ge [sflag:s14], $0x4000  }
0x7a: {  	p0 =	sgt.u32 s28, $0xC2;
	[sflag:s14] =	ssyncset.done $0x0  }
0x7b: {  	s3 =	sadd.s32 $0x800, s3;
	s5 =	simm.s32 @!p0 $0xA;
	[sflag:s14] =	ssyncadd.s32 $0xFFFFC000  }
0x7c: {  	[hbm4b:s3+s4] =	stream.linear.scatter [tilespmem:s10], [sflag:$0x7], $0x4000, $0x38;
	[tilespmem:$0x1A400] =	vst v63  }
0x7d: {  	_ =	swait.ge @!p0 [sflag:s5], $0x4000  }
0x7e: {  	[sflag:s5] =	ssyncset.done @!p0 $0x0  }
0x7f: {  	s0 =	sadd.s32 $0x200, s31;
	[sflag:s5] =	ssyncadd.s32 @!p0 $0xFFFFC000  }
0x80: {  	[tilespmem:s15], [sflag:$0x5] =	stream.indirect.gather [hbm4b:s2+s8], $0x80, s0, s8, $0xb8;
	[tilespmem:$0x1A400] =	vst v63  }
0x81: {  	_ =	swait.ge [sflag:s16], $0x4000  }
0x82: {  	p0 =	seq.s32 s26, $0x18600;
	s20 =	rddreg [dreg:$0x7];
	[sflag:s16] =	ssyncset.done $0x0  }
0x83: {  	s3 =	simm.s32 @!p0 $0x6;
	[sflag:s16] =	ssyncadd.s32 $0xFFFFC000;
	s0 =	sadd.s32 s25, s20  }
0x84: {  	[hbm4b:s0+s4] =	stream.linear.scatter [tilespmem:s11], [sflag:$0x8], $0x4000, $0x38;
	[tilespmem:$0x1A400] =	vst v63  }
0x85: {  	_ =	swait.ge @!p0 [sflag:s3], $0x4000  }
0x86: {  	s6 =	simm.s32 @!p0 $0x80;
	s0 =	sshra.s32 @!p0 s26, $0x2;
	[sflag:s3] =	ssyncset.done @!p0 $0x0  }
0x87: {  	s5 =	sadd.s32 @!p0 $0x280, s0;
	[sflag:s3] =	ssyncadd.s32 @!p0 $0xFFFFC000;
	s3 =	simm.s32 @!p0 $0x6400  }
0x88: {  	[tilespmem:s3], [sflag:$0x1] =	stream.indirect.gather @!p0 [hbm4b:s2+s6], $0x80, s5, s6, $0xb8;
	[tilespmem:$0x1A400] =	vst v63  }
0x89: {  	_ =	swait.ge [sflag:s17], $0x4000  }
0x8a: {  	s26 =	rddreg [dreg:$0x6];
	[sflag:s17] =	ssyncset.done $0x0  }
0x8b: {  	[sflag:s17] =	ssyncadd.s32 $0xFFFFC000;
	s3 =	sadd.s32 s25, s26  }
0x8c: {  	[hbm4b:s3+s4] =	stream.linear.scatter [tilespmem:s13], [sflag:$0x9], $0x4000, $0x38;
	[tilespmem:$0x1A400] =	vst v63  }
0x8d: {  	s3 =	simm.s32 @!p0 $0x7  }
0x8e: {  	_ =	swait.ge @!p0 [sflag:s3], $0x4000  }
0x8f: {  	[sflag:s3] =	ssyncset.done @!p0 $0x0  }
0x90: {  	s0 =	sadd.s32 @!p0 $0x300, s0;
	[sflag:s3] =	ssyncadd.s32 @!p0 $0xFFFFC000;
	s3 =	simm.s32 @!p0 $0xA400  }
0x91: {  	[tilespmem:s3], [sflag:$0x2] =	stream.indirect.gather @!p0 [hbm4b:s2+s6], $0x80, s0, s6, $0xb8;
	[tilespmem:$0x1A400] =	vst v63  }
0x92: {  	_ =	swait.ge [sflag:s18], $0x4000  }
0x93: {  	s28 =	rddreg [dreg:$0x5];
	[sflag:s18] =	ssyncset.done $0x0  }
0x94: {  	s29 =	simm.s32 $0x6;
	s0 =	sadd.s32 s25, s28;
	[sflag:s18] =	ssyncadd.s32 $0xFFFFC000  }
0x95: {  	[hbm4b:s0+s4] =	stream.linear.scatter [tilespmem:s15], [sflag:$0xA], $0x4000, $0x38;
	[tilespmem:$0x1A400] =	vst v63  }
0x96: {  	_ =	swait.ge [sflag:s29], $0x4000  }
0x97: {  	[sflag:s29] =	ssyncset.done $0x0  }
0x98: {  	s30 =	simm.s32 $0x7;
	[sflag:s29] =	ssyncadd.s32 $0xFFFFC000  }
0x99: {  	_ =	swait.ge [sflag:s30], $0x4000  }
0x9a: {  	[sflag:s30] =	ssyncset.done $0x0  }
0x9b: {  	[sflag:s30] =	ssyncadd.s32 $0xFFFFC000  }
0x9c: {  	_ =	swait.ge [sflag:s21], $0x4000  }
0x9d: {  	[sflag:s21] =	ssyncset.done $0x0  }
0x9e: {  	[sflag:s21] =	ssyncadd.s32 $0xFFFFC000  }
0x9f: {  	_ =	swait.ge [sflag:s22], $0x4000  }
0xa0: {  	[sflag:s22] =	ssyncset.done $0x0  }
0xa1: {  	[sflag:s22] =	ssyncadd.s32 $0xFFFFC000  }
0xa2: {  	_ =	swait.ge [sflag:s23], $0x4000  }
0xa3: {  	s24 =	sadd.s32 $0x1, s24;
	s31 =	rddreg [dreg:$0x9]  }
0xa4: {  	p0 =	sne.s32 s24, s31  }
.Ltmp1:
0xa5: {  	_ = 	snop;
	(pc) =	sbr.rel @p0 .LBB2_1-.Ltmp1, $3  }
0xa6: {  	_ =	sdelay $0x1  }
0xa7: {  	[sflag:s23] =	ssyncset.done $0x0  }
0xa8: {  	[sflag:s23] =	ssyncadd.s32 $0xFFFFC000  }
0xa9: {  	_ =	sfence.sel $0x180000  }
0xaa: {  	[bflag:$0x0] =	sbarrier.arrive $0xFFFF  }
0xab: {  	_ =	strace $0x90000047  }
0xac: {  	s0 =	stileid.u32;
	[bflag:$0x2] =	sbarrier.arrive $0xFFFF  }
0xad: {  	p0 =	sne.s32 s0, $0x0;
	s0 =	rddreg [dreg:$0x3]  }
0xae: {  	s0 =	sadd.s32 @!p0 $0x100000, s0  }
0xaf: {  	[sflag:s0] =	ssyncadd.tile.s32 @!p0 $0x1;
	_ =	shalt  }
.Lfunc_end2:
_tile_overlayer_lowered:
.L_overlay_start_2:
0xb0: {  	(tag) =	ssettag $0x2  }
0xb1: {  	s0 =	rddreg [dreg:$0x0];
	s2 =	stileid.u32  }
0xb2: {  	s1 =	rddreg [dreg:$0x1];
	p0 =	sne.s32 s2, $0x0  }
0xb3: {  	s3 =	rddreg [dreg:$0x2];
	[bflag:$0x3] =	sbarrier.arrive $0xFFFF;
	s2 =	simm.s32 @!p0 $0x1C0B  }
0xb4: {  	[timem:s3], [sflag:s2] =	dma.local @!p0 [hbm:s0], s1  }
0xb5: {  	s0 =	simm.s32 @!p0 $0xB  }
0xb6: {  	_ =	swait.ge @!p0 [sflag:s0], s1  }
0xb7: {  	s1 =	ssub.s32 @!p0 $0x0, s1;
	[sflag:s0] =	ssyncset.done @!p0 $0x0  }
0xb8: {  	[sflag:s0] =	ssyncadd.s32 @!p0 s1  }
0xb9: {  	[bflag:$0x3] =	sbarrier.arrive $0xFFFF  }
0xba: {  	_ =	shalt  }

</sc_bundles>
